<compile_context>
chip_gen: v7x
topology: tpu7x:2x2x1
jax: 0.10.2.dev20260603
libtpu: 0.0.44.dev20260713+nightly
codegen_flags: <defaults>
</compile_context>

<pallas_src>
import functools

import jax
import jax.numpy as jnp
from jax import lax
from jax.experimental import pallas as pl
from jax.experimental.pallas import tpu as pltpu
from jax.experimental.pallas import tpu_sc as plsc

N_NODES = 10000
D_FEAT = 128
N_EDGES = 320000
LANES = 16
NUM_CORES = 2
NUM_SUBCORES = 16
NUM_WORKERS = NUM_CORES * NUM_SUBCORES
EDGES_PER_WORKER = N_EDGES // NUM_WORKERS
EDGE_WIN = EDGES_PER_WORKER + 240
UNROLL = 5
EDGE_UNROLL = 5
ROWS_PER_TILE = 640


def _sc_edge_kernel(h_hbm, edges_hbm, sum_out, cnt_out, pos_out,
                    pos_v, edges_v, idx_v, sum_v, cnt_v, pos_chunk, sems):
    cid = lax.axis_index("c")
    sid = lax.axis_index("s")
    wid = sid * NUM_CORES + cid

    base = wid * EDGES_PER_WORKER
    wstart = jnp.minimum((base // 128) * 128, N_EDGES - EDGE_WIN)
    wstart = pl.multiple_of(wstart, 128)
    off = base - wstart
    cp_edges = pltpu.make_async_copy(
        edges_hbm.at[:, pl.ds(wstart, EDGE_WIN)],
        edges_v, sems.at[2])
    cp_edges.start()

    rstart = jnp.minimum(sid * ROWS_PER_TILE, N_NODES - ROWS_PER_TILE)
    rstart = pl.multiple_of(rstart, 8)
    iota = lax.iota(jnp.int32, LANES)

    @plsc.parallel_loop(0, ROWS_PER_TILE // LANES, unroll=UNROLL)
    def _mkidx(i):
        idx_v[pl.ds(i * LANES, LANES)] = (rstart + i * LANES + iota) * D_FEAT

    gathers = [
        pltpu.make_async_copy(
            h_hbm.at[idx_v.at[pl.ds(k * 128, 128)]],
            pos_chunk.at[pl.ds(k * 128, 128)], sems.at[0])
        for k in range(ROWS_PER_TILE // 128)
    ]
    for g in gathers:
        g.start()

    zeros = jnp.zeros((LANES,), jnp.float32)

    @plsc.parallel_loop(0, N_NODES // LANES, unroll=UNROLL)
    def _zero(i):
        sl = pl.ds(i * LANES, LANES)
        sum_v[sl] = zeros
        cnt_v[sl] = zeros

    for g in gathers:
        g.wait()

    pltpu.sync_copy(pos_chunk, pos_out.at[pl.ds(rstart, ROWS_PER_TILE)])
    plsc.subcore_barrier()
    pltpu.sync_copy(pos_out, pos_v)

    cp_edges.wait()
    ones = jnp.ones((LANES,), jnp.float32)

    @plsc.parallel_loop(0, EDGES_PER_WORKER // LANES, unroll=EDGE_UNROLL)
    def _edges(i):
        sl = pl.ds(off + i * LANES, LANES)
        s_idx = edges_v[0, sl]
        d_idx = edges_v[1, sl]
        a = plsc.load_gather(pos_v, [s_idx])
        b = plsc.load_gather(pos_v, [d_idx])
        dist = jnp.abs(a - b)
        plsc.addupdate_scatter(sum_v, [d_idx], dist)
        plsc.addupdate_scatter(cnt_v, [d_idx], ones)

    pltpu.sync_copy(sum_v, sum_out.at[wid])
    pltpu.sync_copy(cnt_v, cnt_out.at[wid])


@functools.partial(
    pl.kernel,
    out_type=(
        jax.ShapeDtypeStruct((NUM_WORKERS, N_NODES), jnp.float32),
        jax.ShapeDtypeStruct((NUM_WORKERS, N_NODES), jnp.float32),
        jax.ShapeDtypeStruct((N_NODES,), jnp.float32),
    ),
    mesh=plsc.VectorSubcoreMesh(core_axis_name="c", subcore_axis_name="s"),
    compiler_params=pltpu.CompilerParams(needs_layout_passes=False),
    scratch_types=[
        pltpu.VMEM((N_NODES,), jnp.float32),
        pltpu.VMEM((NUM_CORES, EDGE_WIN), jnp.int32),
        pltpu.VMEM((ROWS_PER_TILE,), jnp.int32),
        pltpu.VMEM((N_NODES,), jnp.float32),
        pltpu.VMEM((N_NODES,), jnp.float32),
        pltpu.VMEM((ROWS_PER_TILE,), jnp.float32),
        pltpu.SemaphoreType.DMA((3,)),
    ],
)
def _sc_partials(h_hbm, edges_hbm, sum_out, cnt_out, pos_out,
                 pos_v, edges_v, idx_v, sum_v, cnt_v, pos_chunk, sems):
    _sc_edge_kernel(h_hbm, edges_hbm, sum_out, cnt_out, pos_out,
                    pos_v, edges_v, idx_v, sum_v, cnt_v, pos_chunk, sems)


def _tc_combine_kernel(sums_ref, cnts_ref, mean_ref):
    s = jnp.sum(sums_ref[...], axis=0)
    c = jnp.sum(cnts_ref[...], axis=0)
    mean_ref[...] = s / jnp.maximum(c, 1.0)


COMBINE_BLK = 2048
COMBINE_GRID = 5


def kernel(h, edge_index):
    edge_index = edge_index.astype(jnp.int32)
    h_flat = h.reshape(N_NODES * D_FEAT)

    sums, cnts, pos = _sc_partials(h_flat, edge_index)

    mean = pl.pallas_call(
        _tc_combine_kernel,
        grid=(COMBINE_GRID,),
        in_specs=[
            pl.BlockSpec((NUM_WORKERS, COMBINE_BLK), lambda i: (0, i)),
            pl.BlockSpec((NUM_WORKERS, COMBINE_BLK), lambda i: (0, i)),
        ],
        out_specs=pl.BlockSpec((COMBINE_BLK,), lambda i: (i,)),
        out_shape=jax.ShapeDtypeStruct((N_NODES,), jnp.float32),
    )(sums, cnts)
    return jnp.stack([pos, mean], axis=1)

# --- scband reference (transcript-rebuilt; emitter-appended) ---
"""Pipeline reference for scband-avg-distance-conv-80049600463401 (READ-ONLY COPY).

The authoritative reference and input builder live on the scoring server;
editing this copy changes nothing except your own understanding.
"""

import jax, jax.numpy as jnp
import numpy as np

N_NODES = 10000
N_EDGES = 320000
D_FEAT = 128

def setup_inputs(seed: int = 0) -> dict:
    key = jax.random.key(seed)
    k1, k2 = jax.random.split(key)
    h = jax.random.normal(k1, (N_NODES, D_FEAT), dtype=jnp.float32)
    edge_index = jax.random.randint(k2, (2, N_EDGES), 0, N_NODES, dtype=jnp.int64)
    return {"h": h, "edge_index": edge_index}

def reference(h, edge_index):
    # Faithful translation of AvgDistanceConv.forward with a DGL graph:
    #   pos = h[:, 0]
    #   message: dist = |pos_src - pos_dst| per edge
    #   reduce:  h_dst[v] = mean of dist over incoming edges of v (0 if no in-edges)
    #   output:  stack([pos, h_dst], dim=1) -> [N, 2]
    N = h.shape[0]
    pos = h[:, 0]
    src = edge_index[0]
    dst = edge_index[1]
    pos_i = jnp.take(pos, src, axis=0)  # edges.src['pos']
    pos_j = jnp.take(pos, dst, axis=0)  # edges.dst['pos']
    dist = jnp.abs(pos_i - pos_j)
    summed = jax.ops.segment_sum(dist, dst, num_segments=N)
    count = jax.ops.segment_sum(jnp.ones_like(dist), dst, num_segments=N)
    h_dst = summed / jnp.maximum(count, 1.0)  # nodes with no in-edges get 0 (DGL semantics)
    pos_dist = jnp.stack([pos, h_dst], axis=1)
    return pos_dist

if __name__ == "__main__":
    import jax
    _d = setup_inputs()
    print(jax.jit(kernel)(*tuple(_d.values())))

</pallas_src>

<mosaic_0001>
#map = affine_map<(d0, d1) -> (0)>
#map1 = affine_map<(d0, d1) -> (0, 0)>
module attributes {stable_mosaic.version = 14 : i64} {
  func.func @_sc_partials(%arg0: i32, %arg1: i32, %arg2: memref<1280000xf32, #tpu.memory_space<hbm>>, %arg3: memref<2x320000xi32, #tpu.memory_space<hbm>>, %arg4: memref<32x10000xf32, #tpu.memory_space<hbm>>, %arg5: memref<32x10000xf32, #tpu.memory_space<hbm>>, %arg6: memref<10000xf32, #tpu.memory_space<hbm>>, %arg7: memref<10000xf32, #tpu.memory_space<vmem>>, %arg8: memref<2x10240xi32, #tpu.memory_space<vmem>>, %arg9: memref<640xi32, #tpu.memory_space<vmem>>, %arg10: memref<10000xf32, #tpu.memory_space<vmem>>, %arg11: memref<10000xf32, #tpu.memory_space<vmem>>, %arg12: memref<640xf32, #tpu.memory_space<vmem>>, %arg13: memref<3x!tpu.dma_semaphore, #tpu.memory_space<semaphore_mem>>) attributes {dimension_semantics = [#tpu.dimension_semantics<core_parallel>, #tpu.dimension_semantics<subcore_parallel>], iteration_bounds = array<i64: 2, 16>, scalar_prefetch = 0 : i64, scratch_operands = 7 : i64, tpu.core_type = #tpu.core_type<sc_vector_subcore>, window_params = [{transform_indices = #map}, {transform_indices = #map1}, {transform_indices = #map1}, {transform_indices = #map1}, {transform_indices = #map}]} {
    %mul3A = arith.constant 2 : i32
    %mul3A_0 = arith.muli %arg1, %mul3A : i32
    %add3A = arith.addi %mul3A_0, %arg0 : i32
    %mul3A_1 = arith.constant 10000 : i32
    %mul3A_2 = arith.muli %add3A, %mul3A_1 : i32
    %jit3A = arith.constant 128 : i32
    %div3A = arith.divsi %mul3A_2, %jit3A : i32
    %sign3A = arith.constant 0 : i32
    %sign3A_3 = arith.cmpi sgt, %mul3A_2, %sign3A : i32
    %sign3A_4 = arith.extui %sign3A_3 : i1 to i32
    %sign3A_5 = arith.constant 0 : i32
    %sign3A_6 = arith.cmpi slt, %mul3A_2, %sign3A_5 : i32
    %sign3A_7 = arith.extui %sign3A_6 : i1 to i32
    %sign3A_8 = arith.subi %sign3A_4, %sign3A_7 : i32
    %sign3A_9 = arith.constant 0 : i32
    %sign3A_10 = arith.cmpi sgt, %jit3A, %sign3A_9 : i32
    %sign3A_11 = arith.extui %sign3A_10 : i1 to i32
    %sign3A_12 = arith.constant 0 : i32
    %sign3A_13 = arith.cmpi slt, %jit3A, %sign3A_12 : i32
    %sign3A_14 = arith.extui %sign3A_13 : i1 to i32
    %sign3A_15 = arith.subi %sign3A_11, %sign3A_14 : i32
    %ne3A = arith.cmpi ne, %sign3A_8, %sign3A_15 : i32
    %rem3A = arith.remsi %mul3A_2, %jit3A : i32
    %ne3A_16 = arith.constant 0 : i32
    %ne3A_17 = arith.cmpi ne, %rem3A, %ne3A_16 : i32
    %and3A = arith.andi %ne3A, %ne3A_17 : i1
    %sub3A = arith.constant 1 : i32
    %sub3A_18 = arith.subi %div3A, %sub3A : i32
    %select_n3A = arith.select %and3A, %sub3A_18, %div3A : i32
    %mul3A_19 = arith.constant 128 : i32
    %mul3A_20 = arith.muli %select_n3A, %mul3A_19 : i32
    %min3A = arith.constant 309760 : i32
    %min3A_21 = arith.minsi %mul3A_20, %min3A : i32
    %multiple_of3A = tpu.assume_multiple %min3A_21, 128 : i32
    %sub3A_22 = arith.subi %mul3A_2, %multiple_of3A : i32
    %dma_start3A = arith.constant 2 : i32
    %dma_start3A_23 = arith.constant 0 : i32
    %dma_start3A_24 = tpu.memref_slice %arg3[%dma_start3A_23, %multiple_of3A] : memref<2x320000xi32, #tpu.memory_space<hbm>> -> memref<2x10240xi32, #tpu.memory_space<hbm>>
    %dma_start3A_25 = tpu.memref_slice %arg13[%dma_start3A] : memref<3x!tpu.dma_semaphore, #tpu.memory_space<semaphore_mem>> -> memref<1x!tpu.dma_semaphore, #tpu.memory_space<semaphore_mem>>
    %dma_start3A_26 = tpu.memref_squeeze %dma_start3A_25 : memref<1x!tpu.dma_semaphore, #tpu.memory_space<semaphore_mem>> -> memref<!tpu.dma_semaphore, #tpu.memory_space<semaphore_mem>>
    %dma_start3A_27 = arith.constant 0 : i32
    %dma_start3A_28 = tpu.memref_slice %arg3[%dma_start3A_27, %multiple_of3A] : memref<2x320000xi32, #tpu.memory_space<hbm>> -> memref<2x10240xi32, #tpu.memory_space<hbm>>
    tpu.enqueue_dma source(%dma_start3A_28 : memref<2x10240xi32, #tpu.memory_space<hbm>>) target(%arg8 : memref<2x10240xi32, #tpu.memory_space<vmem>>) target_semaphore(%dma_start3A_26 : memref<!tpu.dma_semaphore, #tpu.memory_space<semaphore_mem>>)
    %mul3A_29 = arith.constant 640 : i32
    %mul3A_30 = arith.muli %arg1, %mul3A_29 : i32
    %min3A_31 = arith.constant 9360 : i32
    %min3A_32 = arith.minsi %mul3A_30, %min3A_31 : i32
    %multiple_of3A_33 = tpu.assume_multiple %min3A_32, 8 : i32
    %iota3A = tpu.iota {dimensions = array<i32: 0>} : vector<16xi32>
    %parallel_loop3A = arith.constant 0 : i32
    %parallel_loop3A_34 = arith.constant 40 : i32
    %parallel_loop3A_35 = arith.constant 1 : i32
    scf.for %parallel_loop3A_141 = %parallel_loop3A to %parallel_loop3A_34 step %parallel_loop3A_35  : i32 {
      %parallel_loop3A_142 = arith.constant 16 : i32
      %parallel_loop3A_143 = arith.muli %parallel_loop3A_141, %parallel_loop3A_142 : i32
      %parallel_loop3A_144 = arith.addi %multiple_of3A_33, %parallel_loop3A_143 : i32
      %parallel_loop3A_145 = vector.broadcast %parallel_loop3A_144 : i32 to vector<16xi32>
      %parallel_loop3A_146 = arith.addi %parallel_loop3A_145, %iota3A : vector<16xi32>
      %parallel_loop3A_147 = arith.constant 128 : i32
      %parallel_loop3A_148 = vector.broadcast %parallel_loop3A_147 : i32 to vector<16xi32>
      %parallel_loop3A_149 = arith.muli %parallel_loop3A_146, %parallel_loop3A_148 : vector<16xi32>
      %parallel_loop3A_150 = arith.constant 16 : i32
      %parallel_loop3A_151 = arith.muli %parallel_loop3A_141, %parallel_loop3A_150 : i32
      %parallel_loop3A_152 = arith.index_cast %parallel_loop3A_151 : i32 to index
      %parallel_loop3A_153 = tpu.vector_load %arg9[%parallel_loop3A_152] {strides = array<i32>} : memref<640xi32, #tpu.memory_space<vmem>>, vector<16xi32>,
      tpu.vector_store %arg9[%parallel_loop3A_152], %parallel_loop3A_149 {strides = array<i32>} : memref<640xi32, #tpu.memory_space<vmem>>, vector<16xi32>,
    } {sc.loop_unroll_factor = 5 : i64, sc.parallel_access}
    %dma_start3A_36 = arith.constant 0 : i32
    %dma_start3A_37 = arith.constant 0 : i32
    %dma_start3A_38 = tpu.memref_slice %arg12[%dma_start3A_37] : memref<640xf32, #tpu.memory_space<vmem>> -> memref<128xf32, #tpu.memory_space<vmem>>
    %dma_start3A_39 = arith.constant 0 : i32
    %dma_start3A_40 = tpu.memref_slice %arg9[%dma_start3A_39] : memref<640xi32, #tpu.memory_space<vmem>> -> memref<128xi32, #tpu.memory_space<vmem>>
    %dma_start3A_41 = arith.constant 0 : i32
    %dma_start3A_42 = tpu.memref_slice %arg2[%dma_start3A_41] : memref<1280000xf32, #tpu.memory_space<hbm>> -> memref<1280000xf32, #tpu.memory_space<hbm>>
    %dma_start3A_43 = tpu.memref_slice %arg13[%dma_start3A_36] : memref<3x!tpu.dma_semaphore, #tpu.memory_space<semaphore_mem>> -> memref<1x!tpu.dma_semaphore, #tpu.memory_space<semaphore_mem>>
    %dma_start3A_44 = tpu.memref_squeeze %dma_start3A_43 : memref<1x!tpu.dma_semaphore, #tpu.memory_space<semaphore_mem>> -> memref<!tpu.dma_semaphore, #tpu.memory_space<semaphore_mem>>
    tpu.enqueue_indirect_dma source(%dma_start3A_42 : memref<1280000xf32, #tpu.memory_space<hbm>>) target(%dma_start3A_38 : memref<128xf32, #tpu.memory_space<vmem>>) offsets(%dma_start3A_40 : memref<128xi32, #tpu.memory_space<vmem>>) semaphore(%dma_start3A_44 : memref<!tpu.dma_semaphore, #tpu.memory_space<semaphore_mem>>)
    %dma_start3A_45 = arith.constant 0 : i32
    %dma_start3A_46 = arith.constant 128 : i32
    %dma_start3A_47 = tpu.memref_slice %arg12[%dma_start3A_46] : memref<640xf32, #tpu.memory_space<vmem>> -> memref<128xf32, #tpu.memory_space<vmem>>
    %dma_start3A_48 = arith.constant 128 : i32
    %dma_start3A_49 = tpu.memref_slice %arg9[%dma_start3A_48] : memref<640xi32, #tpu.memory_space<vmem>> -> memref<128xi32, #tpu.memory_space<vmem>>
    %dma_start3A_50 = arith.constant 0 : i32
    %dma_start3A_51 = tpu.memref_slice %arg2[%dma_start3A_50] : memref<1280000xf32, #tpu.memory_space<hbm>> -> memref<1280000xf32, #tpu.memory_space<hbm>>
    %dma_start3A_52 = tpu.memref_slice %arg13[%dma_start3A_45] : memref<3x!tpu.dma_semaphore, #tpu.memory_space<semaphore_mem>> -> memref<1x!tpu.dma_semaphore, #tpu.memory_space<semaphore_mem>>
    %dma_start3A_53 = tpu.memref_squeeze %dma_start3A_52 : memref<1x!tpu.dma_semaphore, #tpu.memory_space<semaphore_mem>> -> memref<!tpu.dma_semaphore, #tpu.memory_space<semaphore_mem>>
    tpu.enqueue_indirect_dma source(%dma_start3A_51 : memref<1280000xf32, #tpu.memory_space<hbm>>) target(%dma_start3A_47 : memref<128xf32, #tpu.memory_space<vmem>>) offsets(%dma_start3A_49 : memref<128xi32, #tpu.memory_space<vmem>>) semaphore(%dma_start3A_53 : memref<!tpu.dma_semaphore, #tpu.memory_space<semaphore_mem>>)
    %dma_start3A_54 = arith.constant 0 : i32
    %dma_start3A_55 = arith.constant 256 : i32
    %dma_start3A_56 = tpu.memref_slice %arg12[%dma_start3A_55] : memref<640xf32, #tpu.memory_space<vmem>> -> memref<128xf32, #tpu.memory_space<vmem>>
    %dma_start3A_57 = arith.constant 256 : i32
    %dma_start3A_58 = tpu.memref_slice %arg9[%dma_start3A_57] : memref<640xi32, #tpu.memory_space<vmem>> -> memref<128xi32, #tpu.memory_space<vmem>>
    %dma_start3A_59 = arith.constant 0 : i32
    %dma_start3A_60 = tpu.memref_slice %arg2[%dma_start3A_59] : memref<1280000xf32, #tpu.memory_space<hbm>> -> memref<1280000xf32, #tpu.memory_space<hbm>>
    %dma_start3A_61 = tpu.memref_slice %arg13[%dma_start3A_54] : memref<3x!tpu.dma_semaphore, #tpu.memory_space<semaphore_mem>> -> memref<1x!tpu.dma_semaphore, #tpu.memory_space<semaphore_mem>>
    %dma_start3A_62 = tpu.memref_squeeze %dma_start3A_61 : memref<1x!tpu.dma_semaphore, #tpu.memory_space<semaphore_mem>> -> memref<!tpu.dma_semaphore, #tpu.memory_space<semaphore_mem>>
    tpu.enqueue_indirect_dma source(%dma_start3A_60 : memref<1280000xf32, #tpu.memory_space<hbm>>) target(%dma_start3A_56 : memref<128xf32, #tpu.memory_space<vmem>>) offsets(%dma_start3A_58 : memref<128xi32, #tpu.memory_space<vmem>>) semaphore(%dma_start3A_62 : memref<!tpu.dma_semaphore, #tpu.memory_space<semaphore_mem>>)
    %dma_start3A_63 = arith.constant 0 : i32
    %dma_start3A_64 = arith.constant 384 : i32
    %dma_start3A_65 = tpu.memref_slice %arg12[%dma_start3A_64] : memref<640xf32, #tpu.memory_space<vmem>> -> memref<128xf32, #tpu.memory_space<vmem>>
    %dma_start3A_66 = arith.constant 384 : i32
    %dma_start3A_67 = tpu.memref_slice %arg9[%dma_start3A_66] : memref<640xi32, #tpu.memory_space<vmem>> -> memref<128xi32, #tpu.memory_space<vmem>>
    %dma_start3A_68 = arith.constant 0 : i32
    %dma_start3A_69 = tpu.memref_slice %arg2[%dma_start3A_68] : memref<1280000xf32, #tpu.memory_space<hbm>> -> memref<1280000xf32, #tpu.memory_space<hbm>>
    %dma_start3A_70 = tpu.memref_slice %arg13[%dma_start3A_63] : memref<3x!tpu.dma_semaphore, #tpu.memory_space<semaphore_mem>> -> memref<1x!tpu.dma_semaphore, #tpu.memory_space<semaphore_mem>>
    %dma_start3A_71 = tpu.memref_squeeze %dma_start3A_70 : memref<1x!tpu.dma_semaphore, #tpu.memory_space<semaphore_mem>> -> memref<!tpu.dma_semaphore, #tpu.memory_space<semaphore_mem>>
    tpu.enqueue_indirect_dma source(%dma_start3A_69 : memref<1280000xf32, #tpu.memory_space<hbm>>) target(%dma_start3A_65 : memref<128xf32, #tpu.memory_space<vmem>>) offsets(%dma_start3A_67 : memref<128xi32, #tpu.memory_space<vmem>>) semaphore(%dma_start3A_71 : memref<!tpu.dma_semaphore, #tpu.memory_space<semaphore_mem>>)
    %dma_start3A_72 = arith.constant 0 : i32
    %dma_start3A_73 = arith.constant 512 : i32
    %dma_start3A_74 = tpu.memref_slice %arg12[%dma_start3A_73] : memref<640xf32, #tpu.memory_space<vmem>> -> memref<128xf32, #tpu.memory_space<vmem>>
    %dma_start3A_75 = arith.constant 512 : i32
    %dma_start3A_76 = tpu.memref_slice %arg9[%dma_start3A_75] : memref<640xi32, #tpu.memory_space<vmem>> -> memref<128xi32, #tpu.memory_space<vmem>>
    %dma_start3A_77 = arith.constant 0 : i32
    %dma_start3A_78 = tpu.memref_slice %arg2[%dma_start3A_77] : memref<1280000xf32, #tpu.memory_space<hbm>> -> memref<1280000xf32, #tpu.memory_space<hbm>>
    %dma_start3A_79 = tpu.memref_slice %arg13[%dma_start3A_72] : memref<3x!tpu.dma_semaphore, #tpu.memory_space<semaphore_mem>> -> memref<1x!tpu.dma_semaphore, #tpu.memory_space<semaphore_mem>>
    %dma_start3A_80 = tpu.memref_squeeze %dma_start3A_79 : memref<1x!tpu.dma_semaphore, #tpu.memory_space<semaphore_mem>> -> memref<!tpu.dma_semaphore, #tpu.memory_space<semaphore_mem>>
    tpu.enqueue_indirect_dma source(%dma_start3A_78 : memref<1280000xf32, #tpu.memory_space<hbm>>) target(%dma_start3A_74 : memref<128xf32, #tpu.memory_space<vmem>>) offsets(%dma_start3A_76 : memref<128xi32, #tpu.memory_space<vmem>>) semaphore(%dma_start3A_80 : memref<!tpu.dma_semaphore, #tpu.memory_space<semaphore_mem>>)
    %broadcast_in_dim3A = arith.constant 0.000000e+00 : f32
    %broadcast_in_dim3A_81 = vector.broadcast %broadcast_in_dim3A : f32 to vector<16xf32>
    %parallel_loop3A_82 = arith.constant 0 : i32
    %parallel_loop3A_83 = arith.constant 625 : i32
    %parallel_loop3A_84 = arith.constant 1 : i32
    scf.for %parallel_loop3A_141 = %parallel_loop3A_82 to %parallel_loop3A_83 step %parallel_loop3A_84  : i32 {
      %parallel_loop3A_142 = arith.constant 16 : i32
      %parallel_loop3A_143 = arith.muli %parallel_loop3A_141, %parallel_loop3A_142 : i32
      %parallel_loop3A_144 = arith.index_cast %parallel_loop3A_143 : i32 to index
      %parallel_loop3A_145 = tpu.vector_load %arg10[%parallel_loop3A_144] {strides = array<i32>} : memref<10000xf32, #tpu.memory_space<vmem>>, vector<16xf32>,
      tpu.vector_store %arg10[%parallel_loop3A_144], %broadcast_in_dim3A_81 {strides = array<i32>} : memref<10000xf32, #tpu.memory_space<vmem>>, vector<16xf32>,
      %parallel_loop3A_146 = arith.index_cast %parallel_loop3A_143 : i32 to index
      %parallel_loop3A_147 = tpu.vector_load %arg11[%parallel_loop3A_146] {strides = array<i32>} : memref<10000xf32, #tpu.memory_space<vmem>>, vector<16xf32>,
      tpu.vector_store %arg11[%parallel_loop3A_146], %broadcast_in_dim3A_81 {strides = array<i32>} : memref<10000xf32, #tpu.memory_space<vmem>>, vector<16xf32>,
    } {sc.loop_unroll_factor = 5 : i64, sc.parallel_access}
    %dma_wait3A = arith.constant 0 : i32
    %dma_wait3A_85 = arith.constant 0 : i32
    %dma_wait3A_86 = tpu.memref_slice %arg12[%dma_wait3A_85] : memref<640xf32, #tpu.memory_space<vmem>> -> memref<128xf32, #tpu.memory_space<vmem>>
    %dma_wait3A_87 = arith.constant 0 : i32
    %dma_wait3A_88 = tpu.memref_slice %arg9[%dma_wait3A_87] : memref<640xi32, #tpu.memory_space<vmem>> -> memref<128xi32, #tpu.memory_space<vmem>>
    %dma_wait3A_89 = arith.constant 0 : i32
    %dma_wait3A_90 = tpu.memref_slice %arg2[%dma_wait3A_89] : memref<1280000xf32, #tpu.memory_space<hbm>> -> memref<1280000xf32, #tpu.memory_space<hbm>>
    %dma_wait3A_91 = tpu.memref_slice %arg13[%dma_wait3A] : memref<3x!tpu.dma_semaphore, #tpu.memory_space<semaphore_mem>> -> memref<1x!tpu.dma_semaphore, #tpu.memory_space<semaphore_mem>>
    %dma_wait3A_92 = tpu.memref_squeeze %dma_wait3A_91 : memref<1x!tpu.dma_semaphore, #tpu.memory_space<semaphore_mem>> -> memref<!tpu.dma_semaphore, #tpu.memory_space<semaphore_mem>>
    tpu.wait_indirect_dma semaphore(%dma_wait3A_92 : memref<!tpu.dma_semaphore, #tpu.memory_space<semaphore_mem>>) src(%dma_wait3A_90 : memref<1280000xf32, #tpu.memory_space<hbm>>) dst(%dma_wait3A_86 : memref<128xf32, #tpu.memory_space<vmem>>)
    %dma_wait3A_93 = arith.constant 0 : i32
    %dma_wait3A_94 = arith.constant 128 : i32
    %dma_wait3A_95 = tpu.memref_slice %arg12[%dma_wait3A_94] : memref<640xf32, #tpu.memory_space<vmem>> -> memref<128xf32, #tpu.memory_space<vmem>>
    %dma_wait3A_96 = arith.constant 128 : i32
    %dma_wait3A_97 = tpu.memref_slice %arg9[%dma_wait3A_96] : memref<640xi32, #tpu.memory_space<vmem>> -> memref<128xi32, #tpu.memory_space<vmem>>
    %dma_wait3A_98 = arith.constant 0 : i32
    %dma_wait3A_99 = tpu.memref_slice %arg2[%dma_wait3A_98] : memref<1280000xf32, #tpu.memory_space<hbm>> -> memref<1280000xf32, #tpu.memory_space<hbm>>
    %dma_wait3A_100 = tpu.memref_slice %arg13[%dma_wait3A_93] : memref<3x!tpu.dma_semaphore, #tpu.memory_space<semaphore_mem>> -> memref<1x!tpu.dma_semaphore, #tpu.memory_space<semaphore_mem>>
    %dma_wait3A_101 = tpu.memref_squeeze %dma_wait3A_100 : memref<1x!tpu.dma_semaphore, #tpu.memory_space<semaphore_mem>> -> memref<!tpu.dma_semaphore, #tpu.memory_space<semaphore_mem>>
    tpu.wait_indirect_dma semaphore(%dma_wait3A_101 : memref<!tpu.dma_semaphore, #tpu.memory_space<semaphore_mem>>) src(%dma_wait3A_99 : memref<1280000xf32, #tpu.memory_space<hbm>>) dst(%dma_wait3A_95 : memref<128xf32, #tpu.memory_space<vmem>>)
    %dma_wait3A_102 = arith.constant 0 : i32
    %dma_wait3A_103 = arith.constant 256 : i32
    %dma_wait3A_104 = tpu.memref_slice %arg12[%dma_wait3A_103] : memref<640xf32, #tpu.memory_space<vmem>> -> memref<128xf32, #tpu.memory_space<vmem>>
    %dma_wait3A_105 = arith.constant 256 : i32
    %dma_wait3A_106 = tpu.memref_slice %arg9[%dma_wait3A_105] : memref<640xi32, #tpu.memory_space<vmem>> -> memref<128xi32, #tpu.memory_space<vmem>>
    %dma_wait3A_107 = arith.constant 0 : i32
    %dma_wait3A_108 = tpu.memref_slice %arg2[%dma_wait3A_107] : memref<1280000xf32, #tpu.memory_space<hbm>> -> memref<1280000xf32, #tpu.memory_space<hbm>>
    %dma_wait3A_109 = tpu.memref_slice %arg13[%dma_wait3A_102] : memref<3x!tpu.dma_semaphore, #tpu.memory_space<semaphore_mem>> -> memref<1x!tpu.dma_semaphore, #tpu.memory_space<semaphore_mem>>
    %dma_wait3A_110 = tpu.memref_squeeze %dma_wait3A_109 : memref<1x!tpu.dma_semaphore, #tpu.memory_space<semaphore_mem>> -> memref<!tpu.dma_semaphore, #tpu.memory_space<semaphore_mem>>
    tpu.wait_indirect_dma semaphore(%dma_wait3A_110 : memref<!tpu.dma_semaphore, #tpu.memory_space<semaphore_mem>>) src(%dma_wait3A_108 : memref<1280000xf32, #tpu.memory_space<hbm>>) dst(%dma_wait3A_104 : memref<128xf32, #tpu.memory_space<vmem>>)
    %dma_wait3A_111 = arith.constant 0 : i32
    %dma_wait3A_112 = arith.constant 384 : i32
    %dma_wait3A_113 = tpu.memref_slice %arg12[%dma_wait3A_112] : memref<640xf32, #tpu.memory_space<vmem>> -> memref<128xf32, #tpu.memory_space<vmem>>
    %dma_wait3A_114 = arith.constant 384 : i32
    %dma_wait3A_115 = tpu.memref_slice %arg9[%dma_wait3A_114] : memref<640xi32, #tpu.memory_space<vmem>> -> memref<128xi32, #tpu.memory_space<vmem>>
    %dma_wait3A_116 = arith.constant 0 : i32
    %dma_wait3A_117 = tpu.memref_slice %arg2[%dma_wait3A_116] : memref<1280000xf32, #tpu.memory_space<hbm>> -> memref<1280000xf32, #tpu.memory_space<hbm>>
    %dma_wait3A_118 = tpu.memref_slice %arg13[%dma_wait3A_111] : memref<3x!tpu.dma_semaphore, #tpu.memory_space<semaphore_mem>> -> memref<1x!tpu.dma_semaphore, #tpu.memory_space<semaphore_mem>>
    %dma_wait3A_119 = tpu.memref_squeeze %dma_wait3A_118 : memref<1x!tpu.dma_semaphore, #tpu.memory_space<semaphore_mem>> -> memref<!tpu.dma_semaphore, #tpu.memory_space<semaphore_mem>>
    tpu.wait_indirect_dma semaphore(%dma_wait3A_119 : memref<!tpu.dma_semaphore, #tpu.memory_space<semaphore_mem>>) src(%dma_wait3A_117 : memref<1280000xf32, #tpu.memory_space<hbm>>) dst(%dma_wait3A_113 : memref<128xf32, #tpu.memory_space<vmem>>)
    %dma_wait3A_120 = arith.constant 0 : i32
    %dma_wait3A_121 = arith.constant 512 : i32
    %dma_wait3A_122 = tpu.memref_slice %arg12[%dma_wait3A_121] : memref<640xf32, #tpu.memory_space<vmem>> -> memref<128xf32, #tpu.memory_space<vmem>>
    %dma_wait3A_123 = arith.constant 512 : i32
    %dma_wait3A_124 = tpu.memref_slice %arg9[%dma_wait3A_123] : memref<640xi32, #tpu.memory_space<vmem>> -> memref<128xi32, #tpu.memory_space<vmem>>
    %dma_wait3A_125 = arith.constant 0 : i32
    %dma_wait3A_126 = tpu.memref_slice %arg2[%dma_wait3A_125] : memref<1280000xf32, #tpu.memory_space<hbm>> -> memref<1280000xf32, #tpu.memory_space<hbm>>
    %dma_wait3A_127 = tpu.memref_slice %arg13[%dma_wait3A_120] : memref<3x!tpu.dma_semaphore, #tpu.memory_space<semaphore_mem>> -> memref<1x!tpu.dma_semaphore, #tpu.memory_space<semaphore_mem>>
    %dma_wait3A_128 = tpu.memref_squeeze %dma_wait3A_127 : memref<1x!tpu.dma_semaphore, #tpu.memory_space<semaphore_mem>> -> memref<!tpu.dma_semaphore, #tpu.memory_space<semaphore_mem>>
    tpu.wait_indirect_dma semaphore(%dma_wait3A_128 : memref<!tpu.dma_semaphore, #tpu.memory_space<semaphore_mem>>) src(%dma_wait3A_126 : memref<1280000xf32, #tpu.memory_space<hbm>>) dst(%dma_wait3A_122 : memref<128xf32, #tpu.memory_space<vmem>>)
    "tpu.region"() ({
      %run_scoped3A = tpu.sem_alloc : memref<!tpu.dma_semaphore, #tpu.memory_space<semaphore_mem>>
      %dma_start3A_141 = tpu.memref_slice %arg6[%multiple_of3A_33] : memref<10000xf32, #tpu.memory_space<hbm>> -> memref<640xf32, #tpu.memory_space<hbm>>
      %dma_start3A_142 = tpu.memref_slice %arg6[%multiple_of3A_33] : memref<10000xf32, #tpu.memory_space<hbm>> -> memref<640xf32, #tpu.memory_space<hbm>>
      tpu.enqueue_dma source(%arg12 : memref<640xf32, #tpu.memory_space<vmem>>) target(%dma_start3A_142 : memref<640xf32, #tpu.memory_space<hbm>>) target_semaphore(%run_scoped3A : memref<!tpu.dma_semaphore, #tpu.memory_space<semaphore_mem>>)
      %dma_wait3A_143 = tpu.memref_slice %arg6[%multiple_of3A_33] : memref<10000xf32, #tpu.memory_space<hbm>> -> memref<640xf32, #tpu.memory_space<hbm>>
      %dma_wait3A_144 = tpu.memref_slice %arg6[%multiple_of3A_33] : memref<10000xf32, #tpu.memory_space<hbm>> -> memref<640xf32, #tpu.memory_space<hbm>>
      tpu.wait_dma2 semaphore(%run_scoped3A : memref<!tpu.dma_semaphore, #tpu.memory_space<semaphore_mem>>) src(%arg12 : memref<640xf32, #tpu.memory_space<vmem>>) dst(%dma_wait3A_144 : memref<640xf32, #tpu.memory_space<hbm>>)
      tpu.yield
    }) : () -> ()
    %barrier3A = arith.constant 0 : index
    tpu.barrier barrier_id(%barrier3A)
    "tpu.region"() ({
      %run_scoped3A = tpu.sem_alloc : memref<!tpu.dma_semaphore, #tpu.memory_space<semaphore_mem>>
      tpu.enqueue_dma source(%arg6 : memref<10000xf32, #tpu.memory_space<hbm>>) target(%arg7 : memref<10000xf32, #tpu.memory_space<vmem>>) target_semaphore(%run_scoped3A : memref<!tpu.dma_semaphore, #tpu.memory_space<semaphore_mem>>)
      tpu.wait_dma2 semaphore(%run_scoped3A : memref<!tpu.dma_semaphore, #tpu.memory_space<semaphore_mem>>) src(%arg6 : memref<10000xf32, #tpu.memory_space<hbm>>) dst(%arg7 : memref<10000xf32, #tpu.memory_space<vmem>>)
      tpu.yield
    }) : () -> ()
    %dma_wait3A_129 = arith.constant 2 : i32
    %dma_wait3A_130 = arith.constant 0 : i32
    %dma_wait3A_131 = tpu.memref_slice %arg3[%dma_wait3A_130, %multiple_of3A] : memref<2x320000xi32, #tpu.memory_space<hbm>> -> memref<2x10240xi32, #tpu.memory_space<hbm>>
    %dma_wait3A_132 = tpu.memref_slice %arg13[%dma_wait3A_129] : memref<3x!tpu.dma_semaphore, #tpu.memory_space<semaphore_mem>> -> memref<1x!tpu.dma_semaphore, #tpu.memory_space<semaphore_mem>>
    %dma_wait3A_133 = tpu.memref_squeeze %dma_wait3A_132 : memref<1x!tpu.dma_semaphore, #tpu.memory_space<semaphore_mem>> -> memref<!tpu.dma_semaphore, #tpu.memory_space<semaphore_mem>>
    %dma_wait3A_134 = arith.constant 0 : i32
    %dma_wait3A_135 = tpu.memref_slice %arg3[%dma_wait3A_134, %multiple_of3A] : memref<2x320000xi32, #tpu.memory_space<hbm>> -> memref<2x10240xi32, #tpu.memory_space<hbm>>
    tpu.wait_dma2 semaphore(%dma_wait3A_133 : memref<!tpu.dma_semaphore, #tpu.memory_space<semaphore_mem>>) src(%dma_wait3A_135 : memref<2x10240xi32, #tpu.memory_space<hbm>>) dst(%arg8 : memref<2x10240xi32, #tpu.memory_space<vmem>>)
    %broadcast_in_dim3A_136 = arith.constant 1.000000e+00 : f32
    %broadcast_in_dim3A_137 = vector.broadcast %broadcast_in_dim3A_136 : f32 to vector<16xf32>
    %parallel_loop3A_138 = arith.constant 0 : i32
    %parallel_loop3A_139 = arith.constant 625 : i32
    %parallel_loop3A_140 = arith.constant 1 : i32
    scf.for %parallel_loop3A_141 = %parallel_loop3A_138 to %parallel_loop3A_139 step %parallel_loop3A_140  : i32 {
      %parallel_loop3A_142 = arith.constant 16 : i32
      %parallel_loop3A_143 = arith.muli %parallel_loop3A_141, %parallel_loop3A_142 : i32
      %parallel_loop3A_144 = arith.addi %sub3A_22, %parallel_loop3A_143 : i32
      %parallel_loop3A_145 = arith.constant 0 : i32
      %parallel_loop3A_146 = arith.index_cast %parallel_loop3A_145 : i32 to index
      %parallel_loop3A_147 = arith.index_cast %parallel_loop3A_144 : i32 to index
      %parallel_loop3A_148 = tpu.vector_load %arg8[%parallel_loop3A_146, %parallel_loop3A_147] {strides = array<i32>} : memref<2x10240xi32, #tpu.memory_space<vmem>>, vector<16xi32>,
      %parallel_loop3A_149 = arith.constant 1 : i32
      %parallel_loop3A_150 = arith.index_cast %parallel_loop3A_149 : i32 to index
      %parallel_loop3A_151 = arith.index_cast %parallel_loop3A_144 : i32 to index
      %parallel_loop3A_152 = tpu.vector_load %arg8[%parallel_loop3A_150, %parallel_loop3A_151] {strides = array<i32>} : memref<2x10240xi32, #tpu.memory_space<vmem>>, vector<16xi32>,
      %parallel_loop3A_153 = tpu.vector_load_idx %arg7[%parallel_loop3A_148] : memref<10000xf32, #tpu.memory_space<vmem>>[vector<16xi32>], vector<16xf32>,
      %parallel_loop3A_154 = tpu.vector_load_idx %arg7[%parallel_loop3A_152] : memref<10000xf32, #tpu.memory_space<vmem>>[vector<16xi32>], vector<16xf32>,
      %parallel_loop3A_155 = arith.subf %parallel_loop3A_153, %parallel_loop3A_154 : vector<16xf32>
      %parallel_loop3A_156 = math.absf %parallel_loop3A_155 : vector<16xf32>
      tpu.vector_store_idx %arg10[%parallel_loop3A_152], %parallel_loop3A_156 {add = true} : memref<10000xf32, #tpu.memory_space<vmem>>[vector<16xi32>], vector<16xf32>,
      tpu.vector_store_idx %arg11[%parallel_loop3A_152], %broadcast_in_dim3A_137 {add = true} : memref<10000xf32, #tpu.memory_space<vmem>>[vector<16xi32>], vector<16xf32>,
    } {sc.loop_unroll_factor = 5 : i64, sc.parallel_access}
    "tpu.region"() ({
      %run_scoped3A = tpu.sem_alloc : memref<!tpu.dma_semaphore, #tpu.memory_space<semaphore_mem>>
      %dma_start3A_141 = arith.constant 0 : i32
      %dma_start3A_142 = tpu.memref_slice %arg4[%add3A, %dma_start3A_141] : memref<32x10000xf32, #tpu.memory_space<hbm>> -> memref<1x10000xf32, #tpu.memory_space<hbm>>
      %dma_start3A_143 = tpu.memref_squeeze %dma_start3A_142 : memref<1x10000xf32, #tpu.memory_space<hbm>> -> memref<10000xf32, #tpu.memory_space<hbm>>
      %dma_start3A_144 = arith.constant 0 : i32
      %dma_start3A_145 = tpu.memref_slice %arg4[%add3A, %dma_start3A_144] : memref<32x10000xf32, #tpu.memory_space<hbm>> -> memref<1x10000xf32, #tpu.memory_space<hbm>>
      %dma_start3A_146 = tpu.memref_squeeze %dma_start3A_145 : memref<1x10000xf32, #tpu.memory_space<hbm>> -> memref<10000xf32, #tpu.memory_space<hbm>>
      tpu.enqueue_dma source(%arg10 : memref<10000xf32, #tpu.memory_space<vmem>>) target(%dma_start3A_146 : memref<10000xf32, #tpu.memory_space<hbm>>) target_semaphore(%run_scoped3A : memref<!tpu.dma_semaphore, #tpu.memory_space<semaphore_mem>>)
      %dma_wait3A_147 = arith.constant 0 : i32
      %dma_wait3A_148 = tpu.memref_slice %arg4[%add3A, %dma_wait3A_147] : memref<32x10000xf32, #tpu.memory_space<hbm>> -> memref<1x10000xf32, #tpu.memory_space<hbm>>
      %dma_wait3A_149 = tpu.memref_squeeze %dma_wait3A_148 : memref<1x10000xf32, #tpu.memory_space<hbm>> -> memref<10000xf32, #tpu.memory_space<hbm>>
      %dma_wait3A_150 = arith.constant 0 : i32
      %dma_wait3A_151 = tpu.memref_slice %arg4[%add3A, %dma_wait3A_150] : memref<32x10000xf32, #tpu.memory_space<hbm>> -> memref<1x10000xf32, #tpu.memory_space<hbm>>
      %dma_wait3A_152 = tpu.memref_squeeze %dma_wait3A_151 : memref<1x10000xf32, #tpu.memory_space<hbm>> -> memref<10000xf32, #tpu.memory_space<hbm>>
      tpu.wait_dma2 semaphore(%run_scoped3A : memref<!tpu.dma_semaphore, #tpu.memory_space<semaphore_mem>>) src(%arg10 : memref<10000xf32, #tpu.memory_space<vmem>>) dst(%dma_wait3A_152 : memref<10000xf32, #tpu.memory_space<hbm>>)
      tpu.yield
    }) : () -> ()
    "tpu.region"() ({
      %run_scoped3A = tpu.sem_alloc : memref<!tpu.dma_semaphore, #tpu.memory_space<semaphore_mem>>
      %dma_start3A_141 = arith.constant 0 : i32
      %dma_start3A_142 = tpu.memref_slice %arg5[%add3A, %dma_start3A_141] : memref<32x10000xf32, #tpu.memory_space<hbm>> -> memref<1x10000xf32, #tpu.memory_space<hbm>>
      %dma_start3A_143 = tpu.memref_squeeze %dma_start3A_142 : memref<1x10000xf32, #tpu.memory_space<hbm>> -> memref<10000xf32, #tpu.memory_space<hbm>>
      %dma_start3A_144 = arith.constant 0 : i32
      %dma_start3A_145 = tpu.memref_slice %arg5[%add3A, %dma_start3A_144] : memref<32x10000xf32, #tpu.memory_space<hbm>> -> memref<1x10000xf32, #tpu.memory_space<hbm>>
      %dma_start3A_146 = tpu.memref_squeeze %dma_start3A_145 : memref<1x10000xf32, #tpu.memory_space<hbm>> -> memref<10000xf32, #tpu.memory_space<hbm>>
      tpu.enqueue_dma source(%arg11 : memref<10000xf32, #tpu.memory_space<vmem>>) target(%dma_start3A_146 : memref<10000xf32, #tpu.memory_space<hbm>>) target_semaphore(%run_scoped3A : memref<!tpu.dma_semaphore, #tpu.memory_space<semaphore_mem>>)
      %dma_wait3A_147 = arith.constant 0 : i32
      %dma_wait3A_148 = tpu.memref_slice %arg5[%add3A, %dma_wait3A_147] : memref<32x10000xf32, #tpu.memory_space<hbm>> -> memref<1x10000xf32, #tpu.memory_space<hbm>>
      %dma_wait3A_149 = tpu.memref_squeeze %dma_wait3A_148 : memref<1x10000xf32, #tpu.memory_space<hbm>> -> memref<10000xf32, #tpu.memory_space<hbm>>
      %dma_wait3A_150 = arith.constant 0 : i32
      %dma_wait3A_151 = tpu.memref_slice %arg5[%add3A, %dma_wait3A_150] : memref<32x10000xf32, #tpu.memory_space<hbm>> -> memref<1x10000xf32, #tpu.memory_space<hbm>>
      %dma_wait3A_152 = tpu.memref_squeeze %dma_wait3A_151 : memref<1x10000xf32, #tpu.memory_space<hbm>> -> memref<10000xf32, #tpu.memory_space<hbm>>
      tpu.wait_dma2 semaphore(%run_scoped3A : memref<!tpu.dma_semaphore, #tpu.memory_space<semaphore_mem>>) src(%arg11 : memref<10000xf32, #tpu.memory_space<vmem>>) dst(%dma_wait3A_152 : memref<10000xf32, #tpu.memory_space<hbm>>)
      tpu.yield
    }) : () -> ()
    return
  }
}

module attributes {stable_mosaic.version = 14 : i64} {
  func.func @_tc_combine_kernel(%arg0: i32, %arg1: memref<32x2048xf32, #tpu.memory_space<vmem>>, %arg2: memref<32x2048xf32, #tpu.memory_space<vmem>>, %arg3: memref<2048xf32, #tpu.memory_space<vmem>>) attributes {dimension_semantics = [#tpu.dimension_semantics<arbitrary>], iteration_bounds = array<i64: 5>, scalar_prefetch = 0 : i64, scratch_operands = 0 : i64, tpu.core_type = #tpu.core_type<tc>, window_params = [{transform_indices = @transform_0, window_bounds = array<i64: 32, 2048>}, {transform_indices = @transform_1, window_bounds = array<i64: 32, 2048>}, {transform_indices = @transform_2, window_bounds = array<i64: 2048>}]} {
    %get3A = arith.constant 0 : index
    %get3A_0 = arith.constant 0 : index
    %get3A_1 = vector.load %arg1[%get3A, %get3A_0] : memref<32x2048xf32, #tpu.memory_space<vmem>>, vector<32x2048xf32>
    %reduce_sum3A = arith.constant dense<0.000000e+00> : vector<2048xf32>
    %reduce_sum3A_2 = vector.multi_reduction <add>, %get3A_1, %reduce_sum3A [0] : vector<32x2048xf32> to vector<2048xf32>
    %get3A_3 = arith.constant 0 : index
    %get3A_4 = arith.constant 0 : index
    %get3A_5 = vector.load %arg2[%get3A_3, %get3A_4] : memref<32x2048xf32, #tpu.memory_space<vmem>>, vector<32x2048xf32>
    %reduce_sum3A_6 = arith.constant dense<0.000000e+00> : vector<2048xf32>
    %reduce_sum3A_7 = vector.multi_reduction <add>, %get3A_5, %reduce_sum3A_6 [0] : vector<32x2048xf32> to vector<2048xf32>
    %max3A = arith.constant 1.000000e+00 : f32
    %max3A_8 = vector.broadcast %max3A : f32 to vector<2048xf32>
    %max3A_9 = arith.maximumf %reduce_sum3A_7, %max3A_8 : vector<2048xf32>
    %div3A = arith.divf %reduce_sum3A_2, %max3A_9 : vector<2048xf32>
    %swap3A = arith.constant 0 : index
    %swap3A_10 = vector.load %arg3[%swap3A] : memref<2048xf32, #tpu.memory_space<vmem>>, vector<2048xf32>
    tpu.vector_store %arg3[%swap3A], %div3A {strides = array<i32>} : memref<2048xf32, #tpu.memory_space<vmem>>, vector<2048xf32>,
    return
  }
  func.func @transform_0(%arg0: i32) -> (i32, i32) {
    %c0_i32 = arith.constant 0 : i32
    %c0_i32_0 = arith.constant 0 : i32
    return %c0_i32, %arg0 : i32, i32
  }
  func.func @transform_1(%arg0: i32) -> (i32, i32) {
    %c0_i32 = arith.constant 0 : i32
    %c0_i32_0 = arith.constant 0 : i32
    return %c0_i32, %arg0 : i32, i32
  }
  func.func @transform_2(%arg0: i32) -> i32 {
    %c0_i32 = arith.constant 0 : i32
    return %arg0 : i32
  }
}

</mosaic_0001>

<sc_bundles>
// kernel: kernel.4.cloned.1.call-start
scs
__scs_entry_jumppad:
0x0: {  	(pc) =	sbr.rel $0x88, $3  }
0x1: {  	(tag) =	ssettag $0x0;
	lr =	simm.s32 $0x1  }
0x2: {  	[smem:$0x3F9F] =	sst lr;
	_ =	strace $0xD0000000  }
0x3: {  	_ = 	snop  }
0x4: {  	_ = 	snop  }
0x5: {  	_ = 	snop  }
0x6: {  	_ = 	snop  }
0x7: {  	_ = 	snop  }
__scs_overlays_trampoline_lowered:
0x8: {  	[smem:$0x3FAE] =	sst s0  }
0x9: {  	[smem:$0x3FAF] =	sst s1  }
0xa: {  	[smem:$0x3FB0] =	sst s2  }
0xb: {  	[smem:$0x3FB1] =	sst s3  }
0xc: {  	[smem:$0x3FB2] =	sst s4  }
0xd: {  	[smem:$0x3FB3] =	sst s5  }
0xe: {  	[smem:$0x3FB4] =	sst s6  }
0xf: {  	[smem:$0x3FB5] =	sst s7  }
0x10: {  	[smem:$0x3FB6] =	sst s8  }
0x11: {  	[smem:$0x3FB7] =	sst s9;
	s0 =	simm.s32 @!p0 $0x0  }
0x12: {  	s1 =	sld [smem:$0x3F9D];
	s0 =	simm.s32 @p0 $0x1  }
0x13: {  	[smem:$0x3FB8] =	sst s0;
	s0 =	simm.s32 @!p1 $0x0  }
0x14: {  	s2 =	sld [smem:$0x3F9C];
	s0 =	simm.s32 @p1 $0x1  }
0x15: {  	[smem:$0x3FB9] =	sst s0;
	s0 =	simm.s32 @!p2 $0x0  }
0x16: {  	s3 =	sld [smem:$0x3FDB];
	s0 =	simm.s32 @p2 $0x1  }
0x17: {  	s4 =	simm.s32 $0x1BF5;
	[smem:$0x3FBB] =	sst s0  }
0x18: {  	s0 =	sld [smem:$0x3F9E];
	_ =	swait.ge [sflag:s4], $0x0  }
0x19: {  	s7 =	sld [smem:$0x3F9F]  }
0x1a: {  	s8 =	sadd.s32 $0xFFFFE003, lr  }
0x1b: {  	s9 =	sadd.s32 $0xFFFFFEF7, lr;
	s5 =	simm.s32 $0xFFFFFFFF;
	p2 =	slt.u32 s8, $0xFFFFF086  }
0x1c: {  	p1 =	slt.u32 s9, $0xF7A;
	s5 =	simm.s32 @!p2 $0x0  }
0x1d: {  	s5 =	simm.s32 @p1 $0x1;
	p0 =	seq.s32 s7, s2  }
0x1e: {  	s7 =	smul.u32 @!p0 $0xF7A, s2;
	p2 =	seq.s32 @!p0 s5, $0x0  }
0x1f: {  	s9 =	smul.u32 $0xF7A, s1;
	s8 =	simm.s32 @!p0 $0x1BF5;
	p2 =	por !p2, p0  }
0x20: {  	[sflag:s8] =	ssyncset.s32 @!p0 $0xFFFFF086;
	s6 =	sadd.s32 @!p0 s3, s7;
	s7 =	simm.s32 @!p0 $0x108  }
0x21: {  	s3 =	sadd.s32 s3, s9;
	s6 =	sadd.s32 @!p0 $0x88, s6;
	s7 =	simm.s32 @p2 $0x1082  }
0x22: {  	[simem:s7], [sflag:s8] =	dma.local @!p0 [hbm:s6], $0xF7A  }
0x23: {  	s9 =	sor.u32 $0xD0000000, s2;
	s6 =	simm.s32 $0x108;
	_ =	swait.ge @!p0 [sflag:s8], $0x0  }
0x24: {  	s3 =	sadd.s32 $0x88, s3;
	s6 =	simm.s32 @!p1 $0x1082;
	[sflag:s4] =	ssyncset.s32 $0xFFFFF086  }
0x25: {  	[simem:s6], [sflag:s4] =	dma.local [hbm:s3], $0xF7A  }
0x26: {  	[smem:$0x3F9F] =	sst s1;
	(tag) =	ssettag s2;
	_ =	strace s9  }
0x27: {  	s1 =	sld [smem:$0x3FAF]  }
0x28: {  	s2 =	sld [smem:$0x3FB0]  }
0x29: {  	s4 =	sld [smem:$0x3FB2]  }
0x2a: {  	p0 =	seq.s32 s5, $0x0;
	s5 =	sld [smem:$0x3FB3]  }
0x2b: {  	s6 =	sld [smem:$0x3FB4]  }
0x2c: {  	s7 =	sld [smem:$0x3FB5]  }
0x2d: {  	s3 =	simm.s32 $0x108;
	s8 =	sld [smem:$0x3FB6]  }
0x2e: {  	s3 =	simm.s32 @!p0 $0x1082;
	s9 =	sld [smem:$0x3FB7]  }
0x2f: {  	lr =	sadd.s32 s0, s3;
	s0 =	sld [smem:$0x3FAE]  }
0x30: {  	s3 =	sld [smem:$0x3FB1]  }
0x31: {  	[smem:$0x3FBA] =	sst s10  }
0x32: {  	s10 =	sld [smem:$0x3FB8];
	_ =	sdelay $0x3  }
0x33: {  	p0 =	seq.s32 s10, $0x1;
	s10 =	sld [smem:$0x3FBA];
	_ =	sdelay $0x3  }
0x34: {  	[smem:$0x3FBA] =	sst s10  }
0x35: {  	s10 =	sld [smem:$0x3FB9];
	_ =	sdelay $0x3  }
0x36: {  	p1 =	seq.s32 s10, $0x1;
	s10 =	sld [smem:$0x3FBA];
	_ =	sdelay $0x3  }
0x37: {  	[smem:$0x3FBA] =	sst s10  }
0x38: {  	s10 =	sld [smem:$0x3FBB]  }
0x39: {  	_ = 	snop;
	(pc) =	sbr.ind lr, $3  }
0x3a: {  	_ = 	snop  }
0x3b: {  	_ = 	snop  }
0x3c: {  	p2 =	seq.s32 s10, $0x1;
	s10 =	sld [smem:$0x3FBA]  }
0x3d: {  	_ =	shalt  }
0x3e: {  	_ =	shalt  }
0x3f: {  	_ =	shalt  }
0x40: {  	_ =	shalt  }
0x41: {  	_ =	shalt  }
0x42: {  	_ =	shalt  }
0x43: {  	_ =	shalt  }
0x44: {  	_ =	shalt  }
0x45: {  	_ =	shalt  }
0x46: {  	_ =	shalt  }
0x47: {  	_ =	shalt  }
0x48: {  	_ =	shalt  }
0x49: {  	_ =	shalt  }
0x4a: {  	_ =	shalt  }
0x4b: {  	_ =	shalt  }
0x4c: {  	_ =	shalt  }
0x4d: {  	_ =	shalt  }
0x4e: {  	_ =	shalt  }
0x4f: {  	_ =	shalt  }
0x50: {  	_ =	shalt  }
0x51: {  	_ =	shalt  }
0x52: {  	_ =	shalt  }
0x53: {  	_ =	shalt  }
0x54: {  	_ =	shalt  }
0x55: {  	_ =	shalt  }
0x56: {  	_ =	shalt  }
0x57: {  	_ =	shalt  }
0x58: {  	_ =	shalt  }
0x59: {  	_ =	shalt  }
0x5a: {  	_ =	shalt  }
0x5b: {  	_ =	shalt  }
0x5c: {  	_ =	shalt  }
0x5d: {  	_ =	shalt  }
0x5e: {  	_ =	shalt  }
0x5f: {  	_ =	shalt  }
0x60: {  	_ =	shalt  }
0x61: {  	_ =	shalt  }
0x62: {  	_ =	shalt  }
0x63: {  	_ =	shalt  }
0x64: {  	_ =	shalt  }
0x65: {  	_ =	shalt  }
0x66: {  	_ =	shalt  }
0x67: {  	_ =	shalt  }
0x68: {  	_ =	shalt  }
0x69: {  	_ =	shalt  }
0x6a: {  	_ =	shalt  }
0x6b: {  	_ =	shalt  }
0x6c: {  	_ =	shalt  }
0x6d: {  	_ =	shalt  }
0x6e: {  	_ =	shalt  }
0x6f: {  	_ =	shalt  }
0x70: {  	_ =	shalt  }
0x71: {  	_ =	shalt  }
0x72: {  	_ =	shalt  }
0x73: {  	_ =	shalt  }
0x74: {  	_ =	shalt  }
0x75: {  	_ =	shalt  }
0x76: {  	_ =	shalt  }
0x77: {  	_ =	shalt  }
0x78: {  	_ =	shalt  }
0x79: {  	_ =	shalt  }
0x7a: {  	_ =	shalt  }
0x7b: {  	_ =	shalt  }
0x7c: {  	_ =	shalt  }
0x7d: {  	_ =	shalt  }
0x7e: {  	_ =	shalt  }
0x7f: {  	_ =	shalt  }
0x80: {  	_ =	shalt  }
0x81: {  	_ =	shalt  }
0x82: {  	_ =	shalt  }
0x83: {  	_ =	shalt  }
0x84: {  	_ =	shalt  }
0x85: {  	_ =	shalt  }
0x86: {  	_ =	shalt  }
0x87: {  	_ =	shalt  }
.Lfunc_end0:
.L_simem_size_0:
called_computation_lowered:
.L_overlay_start_0:
0x88: {  	s2 =	sld [smem:$0x3FD9]  }
0x89: {  	s3 =	sld [smem:$0x3FFE];
	_ =	sdelay $0x1  }
0x8a: {  	s1 =	srdreg.scid  }
0x8b: {  	s0 =	sand.u32 $0x1, s1  }
0x8c: {  	s17 =	sshll.u32 s0, $0xA;
	s2 =	sadd.s32 s3, s2  }
0x8d: {  	s2 =	sadd.s32 s2, s17  }
0x8e: {  	[smem:$0x3FC6] =	sst s2  }
0x8f: {  	_ = 	snop  }
0x90: {  	s2 =	sld [smem:$0x3FC9]  }
0x91: {  	s18 =	sld [smem:$0x3FC8]  }
0x92: {  	s4 =	sld [smem:$0x3FD0];
	(tm) =	ssettm $0x1  }
0x93: {  	s5 =	sld [smem:$0x3FFB];
	_ =	sdelay $0x3  }
0x94: {  	_ =	strace s5  }
0x95: {  	s5 =	sld [smem:$0x3FFC];
	_ =	sdelay $0x3  }
0x96: {  	_ =	strace s5  }
0x97: {  	s5 =	sld [smem:$0x3FFD];
	_ =	sdelay $0x3  }
0x98: {  	_ =	strace s5  }
0x99: {  	_ =	strace $0x8FFFFFFF  }
0x9a: {  	s19 =	sld [smem:$0x3FDB];
	_ =	sdelay $0x1  }
0x9b: {  	s6 =	simm.s32 $_scs_section_size  }
0x9c: {  	s7 =	simm.s32 $_size__tile_overlayer_lowered;
	s8 =	simm.s32 $_tile_overlayer_lowered  }
0x9d: {  	s22 =	simm.s32 $0x1BFF;
	s21 =	sshll.u32 s8, $0x1;
	s5 =	sadd.s32 s6, s19  }
0x9e: {  	s9 =	simm.s32 $0x0;
	s20 =	sshll.u32 s7, $0x1;
	s7 =	sadd.s32 s21, s5  }
0x9f: {  	[timem:s9], [sflag:s22] =	dma.local [hbm:s7], s20  }
0xa0: {  	_ =	swait.ge [sflag:s22], s20  }
0xa1: {  	s6 =	ssub.s32 $0x0, s20;
	[sflag:s22] =	ssyncset.done $0x0  }
0xa2: {  	[sflag:s22] =	ssyncadd.s32 s6;
	_ =	sdelay $0x1  }
0xa3: {  	s23 =	simm.s32 $0x1B8B  }
0xa4: {  	_ =	swait.ge [sflag:s23], $0x1  }
0xa5: {  	[sflag:s23] =	ssyncset.done $0x0  }
0xa6: {  	s25 =	simm.s32 $0x1B8E;
	s24 =	sld [smem:$0x3FFE];
	[sflag:s23] =	ssyncadd.s32 $0xFFFFFFFF  }
0xa7: {  	s26 =	simm.s32 $execute0_lowered;
	[smem:$0x3FD2] =	sst s25  }
0xa8: {  	s7 =	sshll.u32 s26, $0x1;
	_ =	strace $0x80000046;
	[dreg:$0x1] =	wrdreg $0xFFFFFFFF  }
0xa9: {  	s28 =	simm.s32 $_size_execute0_lowered;
	s5 =	sadd.s32 s5, s7;
	[dreg:$0x0] =	wrdreg $0x0  }
0xaa: {  	s7 =	sshll.u32 s28, $0x1;
	[dreg:$0x2] =	wrdreg s5  }
0xab: {  	[dreg:$0x3] =	wrdreg s7  }
0xac: {  	[dreg:$0x4] =	wrdreg $0xC0  }
0xad: {  	_ =	task [dreg:s9], $0x5FFFF  }
0xae: {  	[dreg:$0x1] =	wrdreg $0xFFFFFFFF  }
0xaf: {  	[dreg:$0x0] =	wrdreg $0x60  }
0xb0: {  	[dreg:$0x2] =	wrdreg s2  }
0xb1: {  	[dreg:$0x3] =	wrdreg s18  }
0xb2: {  	[dreg:$0x4] =	wrdreg s24  }
0xb3: {  	[dreg:$0x5] =	wrdreg s4  }
0xb4: {  	[dreg:$0x6] =	wrdreg $0x9  }
0xb5: {  	_ =	task.clear_ibuf [dreg:s9], $0x7FFFF;
	_ =	strace $0x90000046  }
0xb6: {  	s29 =	simm.s32 $0x9;
	_ =	strace $0x80000048  }
0xb7: {  	_ =	swait.ge [sflag:s29], $0x1  }
0xb8: {  	[sflag:s29] =	ssyncadd.s32 $0xFFFFFFFF  }
0xb9: {  	_ =	strace $0x90000048  }
0xba: {  	_ =	sfence  }
0xbb: {  	s30 =	sld [smem:$0x0];
	_ =	sdelay $0x2  }
0xbc: {  	s31 =	sshll.u32 s1, $0xD;
	s1 =	sshrl.u32 s1, $0x2  }
0xbd: {  	s3 =	sand.u32 $0x4000, s31;
	s1 =	sadd.s32 s1, s30  }
0xbe: {  	s0 =	sor.u32 s3, s0;
	s1 =	sshll.u32 s1, $0x11  }
0xbf: {  	s0 =	sor.u32 s1, s0  }
0xc0: {  	s0 =	sadd.s32 $0x8F2B, s0  }
0xc1: {  	[sflag:s0] =	ssyncadd.remote.s32 $0x1  }
0xc2: {  	_ =	sfence.sel $0xFFFF  }
0xc3: {  	[dreg:$0x0] =	wrdreg $0xFFFFFFFF;
	(pc) =	sbr.abs _section_cstart, $3  }
0xc4: {  	[dreg:$0x1] =	wrdreg $0xFFFFFFFF  }
0xc5: {  	_ =	task.clear_ibuf [dreg:s9], $0x2FFFF;
	_ =	strace $0x9FFFFFFF  }
0xc6: {  	(tm) =	ssettm $0x7FFFFFFF  }
0xc7: {  	_ =	shalt  }
tec
execute0_lowered:
.L_overlay_start_1:
0x0: {  	(tag) =	ssettag $0x1  }
0x1: {  	s1 =	rddreg [dreg:$0x0]  }
0x2: {  	s2 =	rddreg [dreg:$0x1]  }
0x3: {  	s0 =	srdreg.scid;
	s5 =	rddreg [dreg:$0x2]  }
0x4: {  	s12 =	stileid.u32;
	s13 =	rddreg [dreg:$0x3];
	s15 =	simm.s32 $0x80  }
0x5: {  	s17 =	simm.s32 $0xC900;
	s28 =	simm.s32 $0x4;
	s29 =	simm.s32 $0x3  }
0x6: {  	s30 =	simm.s32 $0x7A00;
	s31 =	simm.s32 $0xA180;
	s21 =	smul.u32 $0x280, s12  }
0x7: {  	s0 =	sand.u32 $0x1, s0;
	s3 =	sshll.u32 s12, $0x1;
	s8 =	smul.u32 $0x4E20, s12  }
0x8: {  	s4 =	sshrl.u32 s12, $0x2;
	s12 =	smul.u32 $0x9C40, s12;
	s3 =	sor.u32 s0, s3  }
0x9: {  	s6 =	smul.u32 $0x13C00, s4;
	s4 =	simm.s32 $0x0;
	s20 =	ssub.s32 $0x2, s0  }
0xa: {  	s10 =	smul.u32 $0x2710, s0;
	s7 =	sshll.u32 s3, $0x7;
	[smem:$0x7FF] =	sst s4  }
0xb: {  	s3 =	smul.u32 $0x2710, s3;
	s22 =	sshrl.u32 s20, $0x1;
	s7 =	sand.u32 $0x380, s7  }
0xc: {  	_ =	strace $0x80000047;
	s11 =	ssub.s32 s20, s22;
	s24 =	sadd.s32 s10, s8  }
0xd: {  	s6 =	sor.u32 s6, s7;
	s3 =	sand.u32 $0x7FF80, s3;
	s25 =	sand.u32 $0xFFF80, s24  }
0xe: {  	s10 =	smax.u32 s11, $0x1;
	s11 =	smul.u32 $0x4E20, s0;
	s6 =	sshrl.u32 s6, $0x3  }
0xf: {  	s3 =	smin.u32 s3, $0x4BA00;
	s9 =	sadd.s32 s6, s5;
	s5 =	smin.u32 s21, $0x2490  }
0x10: {  	s0 =	simm.s32 $0x0;
	s3 =	sshrl.u32 s3, $0x2;
	s23 =	sshrl.u32 s5, $0x3  }
0x11: {  	s2 =	sadd.s32 s2, s3;
	s8 =	sadd.s32 $0xC00, s9;
	s3 =	smin.u32 s25, $0x4BA00  }
0x12: {  	s9 =	sadd.s32 $0xAA00, s9;
	[dreg:$0x5] =	wrdreg s2;
	s26 =	sshll.u32 s3, $0x1  }
0x13: {  	v0 =	vlaneseq.u32;
	s7 =	sadd.s32 s13, s23;
	s2 =	ssub.s32 s24, s3;
	s12 =	ssub.s32 s12, s26  }
0x14: {  	v1 =	vimm.f32 $0.0e+00;
	v2 =	vimm.f32 $1.000000000e+00;
	v0 =	vmul.u32 $0x80, v0;
	s13 =	sadd.s32 $0x40, s2;
	s26 =	simm.s32 $0x1;
	s2 =	simm.s32 $0x400  }
.LBB2_1:
0x15: {  	s24 =	sadd.s32 $0x40, s5  }
0x16: {  	s3 =	rddreg [dreg:$0x5];
	v3 =	vmov s5;
	s14 =	sadd.s32 $0x10, s5;
	s16 =	sadd.s32 $0x20, s5;
	v4 =	vmov s24  }
0x17: {  	s6 =	simm.s32 $0x2780;
	s25 =	sadd.s32 $0x30, s5;
	s18 =	simm.s32 $0x77A0;
	v3 =	vshll.u32 v3, $0x7;
	v5 =	vmov s14;
	v6 =	vmov s16  }
0x18: {  	[tilespmem:s6], [sflag:$0x3] =	stream.linear.gather [hbm4b:s3+s4], $0x5000, $0x38;
	v8 =	vshll.u32 v5, $0x7;
	v6 =	vshll.u32 v6, $0x7;
	v5 =	vmov s25;
	[tilespmem:$0xCB80] =	vst v63  }
0x19: {  	s3 =	simm.s32 $0x77A0;
	s14 =	simm.s32 $0x0;
	s16 =	smov.u32 s5;
	v7 =	vor.u32 v0, v3;
	v3 =	vor.u32 v0, v8;
	v6 =	vor.u32 v0, v6  }
.LBB2_2:
0x1a: {  	s14 =	sadd.s32 $0x5, s14  }
0x1b: {  	[tilespmem:s3+$0xFFFFFFE0] =	vst v7;
	v5 =	vshll.u32 v5, $0x7;
	v4 =	vshll.u32 v4, $0x7;
	s16 =	sadd.s32 $0x50, s16;
	s18 =	sadd.s32 $0x50, s18;
	p0 =	slt.u32 s14, $0x23  }
.Ltmp0:
0x1c: {  	s19 =	sadd.s32 $0x40, s16;
	[tilespmem:s3+$0x0] =	vst v6;
	v5 =	vor.u32 v0, v5;
	v6 =	vor.u32 v0, v4;
	(pc) =	sbr.rel @p0 .LBB2_2-.Ltmp0, $4  }
0x1d: {  	v7 =	vmov s16;
	s20 =	sadd.s32 $0x10, s16;
	s21 =	sadd.s32 $0x20, s16;
	s22 =	sadd.s32 $0x30, s16;
	v4 =	vmov s19;
	[tilespmem:s3+$0x10] =	vst v5  }
0x1e: {  	v7 =	vshll.u32 v7, $0x7;
	v5 =	vmov s20;
	v8 =	vmov s21;
	[tilespmem:s3+$0x20] =	vst v6  }
0x1f: {  	v6 =	vshll.u32 v5, $0x7;
	v8 =	vshll.u32 v8, $0x7;
	v5 =	vmov s22;
	[tilespmem:s3+$0xFFFFFFF0] =	vst v3;
	s3 =	smov.u32 s18  }
0x20: {  	v7 =	vor.u32 v0, v7;
	v3 =	vor.u32 v0, v6;
	v6 =	vor.u32 v0, v8  }
0x21: {  	[tilespmem:s3+$0xFFFFFFE0] =	vst v7  }
0x22: {  	v5 =	vshll.u32 v5, $0x7;
	[tilespmem:s3+$0x0] =	vst v6  }
0x23: {  	v4 =	vshll.u32 v4, $0x7;
	[tilespmem:s3+$0xFFFFFFF0] =	vst v3;
	v5 =	vor.u32 v0, v5  }
0x24: {  	v4 =	vor.u32 v0, v4;
	[tilespmem:s3+$0x10] =	vst v5  }
0x25: {  	s18 =	simm.s32 $0x7780;
	[tilespmem:s3+$0x20] =	vst v4  }
0x26: {  	[tilespmem:s17], [sflag:$0x1] =	stream.indirect.gather [hbm4b:s1+s15], $0x1, s18, s15, $0xb8;
	[tilespmem:$0xCB80] =	vst v63  }
0x27: {  	s19 =	simm.s32 $0x7800;
	s6 =	simm.s32 $0xC980  }
0x28: {  	[tilespmem:s6], [sflag:$0x1] =	stream.indirect.gather [hbm4b:s1+s15], $0x1, s19, s15, $0xb8;
	[tilespmem:$0xCB80] =	vst v63  }
0x29: {  	s20 =	simm.s32 $0x7880;
	s21 =	simm.s32 $0xCA00  }
0x2a: {  	[tilespmem:s21], [sflag:$0x1] =	stream.indirect.gather [hbm4b:s1+s15], $0x1, s20, s15, $0xb8;
	[tilespmem:$0xCB80] =	vst v63  }
0x2b: {  	s22 =	simm.s32 $0x7900;
	s23 =	simm.s32 $0xCA80  }
0x2c: {  	[tilespmem:s23], [sflag:$0x1] =	stream.indirect.gather [hbm4b:s1+s15], $0x1, s22, s15, $0xb8;
	[tilespmem:$0xCB80] =	vst v63  }
0x2d: {  	s24 =	simm.s32 $0x7980;
	s25 =	simm.s32 $0xCB00;
	s3 =	simm.s32 $0x7A20  }
0x2e: {  	[tilespmem:s25], [sflag:$0x1] =	stream.indirect.gather [hbm4b:s1+s15], $0x1, s24, s15, $0xb8;
	[tilespmem:$0xCB80] =	vst v63  }
0x2f: {  	[tilespmem:s3+$0xFFFFFFF0] =	vst v1  }
0x30: {  	[tilespmem:s3+$0xFFFFFFE0] =	vst v1  }
0x31: {  	[tilespmem:s3+$0x0] =	vst v1  }
0x32: {  	[tilespmem:s3+$0x10] =	vst v1  }
0x33: {  	s14 =	simm.s32 $0xA1A0;
	[tilespmem:s3+$0x20] =	vst v1  }
0x34: {  	[tilespmem:s14+$0xFFFFFFE0] =	vst v1  }
0x35: {  	[tilespmem:s14+$0x20] =	vst v1  }
0x36: {  	[tilespmem:s14+$0x10] =	vst v1  }
0x37: {  	s16 =	simm.s32 $0x0;
	[tilespmem:s14+$0x0] =	vst v1  }
.LBB2_4:
0x38: {  	s16 =	sadd.s32 $0x5, s16;
	[tilespmem:s14+$0xFFFFFFF0] =	vst v1;
	s3 =	sadd.s32 $0x50, s3;
	s14 =	sadd.s32 $0x50, s14  }
0x39: {  	[tilespmem:s3+$0xFFFFFFF0] =	vst v1;
	p0 =	slt.u32 s16, $0x26C  }
0x3a: {  	[tilespmem:s3+$0xFFFFFFE0] =	vst v1  }
0x3b: {  	[tilespmem:s14+$0xFFFFFFE0] =	vst v1  }
0x3c: {  	[tilespmem:s3+$0x0] =	vst v1  }
.Ltmp1:
0x3d: {  	[tilespmem:s3+$0x10] =	vst v1;
	(pc) =	sbr.rel @p0 .LBB2_4-.Ltmp1, $4  }
0x3e: {  	[tilespmem:s3+$0x20] =	vst v1  }
0x3f: {  	[tilespmem:s14+$0x20] =	vst v1  }
0x40: {  	[tilespmem:s14+$0x10] =	vst v1  }
0x41: {  	[tilespmem:s14+$0x0] =	vst v1  }
0x42: {  	[tilespmem:s14+$0xFFFFFFF0] =	vst v1  }
0x43: {  	_ =	swait.ge [sflag:s26], $0x80  }
0x44: {  	[sflag:s26] =	ssyncset.done $0x0  }
0x45: {  	[sflag:s26] =	ssyncadd.s32 $0xFFFFFF80  }
0x46: {  	_ =	swait.ge [sflag:s26], $0x80  }
0x47: {  	[sflag:s26] =	ssyncset.done $0x0  }
0x48: {  	[sflag:s26] =	ssyncadd.s32 $0xFFFFFF80  }
0x49: {  	_ =	swait.ge [sflag:s26], $0x80  }
0x4a: {  	[sflag:s26] =	ssyncset.done $0x0  }
0x4b: {  	[sflag:s26] =	ssyncadd.s32 $0xFFFFFF80  }
0x4c: {  	_ =	swait.ge [sflag:s26], $0x80  }
0x4d: {  	[sflag:s26] =	ssyncset.done $0x0  }
0x4e: {  	[sflag:s26] =	ssyncadd.s32 $0xFFFFFF80  }
0x4f: {  	_ =	swait.ge [sflag:s26], $0x80  }
0x50: {  	[sflag:s26] =	ssyncset.done $0x0  }
0x51: {  	[sflag:s26] =	ssyncadd.s32 $0xFFFFFF80  }
0x52: {  	[hbm4b:s7+s4] =	stream.linear.scatter [tilespmem:s17], [sflag:$0x4], $0x280, $0x38;
	[tilespmem:$0xCB80] =	vst v63  }
0x53: {  	_ =	swait.ge [sflag:s28], $0x280  }
0x54: {  	[sflag:s28] =	ssyncset.done $0x0  }
0x55: {  	[sflag:s28] =	ssyncadd.s32 $0xFFFFFD80  }
0x56: {  	[bflag:$0x0] =	sbarrier.arrive $0xFFFF  }
0x57: {  	s3 =	rddreg [dreg:$0x3]  }
0x58: {  	[tilespmem:s4], [sflag:$0x4] =	stream.linear.gather [hbm4b:s3+s4], $0x2780, $0x38;
	[tilespmem:$0xCB80] =	vst v63  }
0x59: {  	_ =	swait.ge [sflag:s28], $0x2780  }
0x5a: {  	[sflag:s28] =	ssyncset.done $0x0  }
0x5b: {  	s3 =	sadd.s32 s12, s11;
	[sflag:s28] =	ssyncadd.s32 $0xFFFFD880  }
0x5c: {  	s19 =	sadd.s32 $0x80, s3;
	_ =	swait.ge [sflag:s29], $0x5000  }
0x5d: {  	s16 =	sand.u32 $0x70, s13;
	s14 =	sand.u32 $0xFFFFFF00, s19;
	[sflag:s29] =	ssyncset.done $0x0  }
0x5e: {  	s14 =	sor.u32 s16, s14;
	[sflag:s29] =	ssyncadd.s32 $0xFFFFB000  }
0x5f: {  	s21 =	sadd.s32 $0xFFFFFFD0, s13;
	s25 =	sadd.s32 $0xFFFFFFF0, s13;
	s20 =	sadd.s32 $0x20, s3;
	v3 =	vld [tilespmem:s14+$0x2780]  }
0x60: {  	s6 =	sadd.s32 $0xFFFFFFC0, s13;
	s16 =	sand.u32 $0x70, s21;
	v4 =	vld [tilespmem:s14+$0x2800];
	s14 =	sand.u32 $0xFFFFFF00, s20  }
0x61: {  	s18 =	sadd.s32 $0x40, s3;
	s19 =	sadd.s32 $0xFFFFFFE0, s13;
	s14 =	sor.u32 s16, s14  }
0x62: {  	s24 =	sadd.s32 $0x60, s3;
	s22 =	sand.u32 $0xFFFFFF00, s18;
	s23 =	sand.u32 $0x70, s19;
	v5 =	vld [tilespmem:s14+$0x2780]  }
0x63: {  	s18 =	sand.u32 $0x70, s25;
	s16 =	sor.u32 s23, s22;
	v6 =	vld [tilespmem:s14+$0x2800];
	s14 =	sand.u32 $0xFFFFFF00, s24  }
0x64: {  	s3 =	sand.u32 $0xFFFFFF00, s3;
	v7 =	vld [tilespmem:s16+$0x2780];
	s14 =	sor.u32 s18, s14;
	s18 =	sand.u32 $0x70, s6  }
0x65: {  	v10 =	vld [tilespmem:s16+$0x2800];
	s3 =	sor.u32 s18, s3  }
0x66: {  	v13 =	vld [tilespmem:s3+$0x2780]  }
0x67: {  	v8 =	vld.idx.msk [tilespmem:v3+s4+$0x0], $0xffff  }
0x68: {  	v9 =	vld.idx.msk [tilespmem:v4+s4+$0x0], $0xffff  }
0x69: {  	v11 =	vld [tilespmem:s14+$0x2780]  }
0x6a: {  	v12 =	vld [tilespmem:s14+$0x2800]  }
0x6b: {  	v3 =	vld [tilespmem:s3+$0x2800]  }
0x6c: {  	v5 =	vld.idx.msk [tilespmem:v5+s4+$0x0], $0xffff  }
0x6d: {  	v7 =	vld.idx.msk [tilespmem:v7+s4+$0x0], $0xffff;
	v8 =	vsub.f32 v8, v9  }
0x6e: {  	v9 =	vld.idx.msk [tilespmem:v6+s4+$0x0], $0xffff  }
0x6f: {  	v15 =	vld.idx.msk [tilespmem:v13+s4+$0x0], $0xffff;
	v8 =	vand.u32 $0x7FFFFFFF, v8  }
0x70: {  	[tilespmem:v4+s30+$0x0] =	vst.idx.add.f32.msk $0xffff, v8  }
0x71: {  	[tilespmem:v4+s31+$0x0] =	vst.idx.add.f32.msk $0xffff, v2  }
0x72: {  	s16 =	sadd.s32 $0xA0, s12;
	v4 =	vld.idx.msk [tilespmem:v10+s4+$0x0], $0xffff  }
0x73: {  	s14 =	sadd.s32 s16, s11;
	v8 =	vld.idx.msk [tilespmem:v11+s4+$0x0], $0xffff;
	v5 =	vsub.f32 v5, v9  }
0x74: {  	s19 =	sadd.s32 $0x80, s14;
	s3 =	sadd.s32 $0x50, s13;
	v9 =	vld.idx.msk [tilespmem:v12+s4+$0x0], $0xffff  }
0x75: {  	s18 =	sand.u32 $0xFFFFFF00, s19;
	s20 =	sand.u32 $0x70, s3;
	v16 =	vld.idx.msk [tilespmem:v3+s4+$0x0], $0xffff;
	v5 =	vand.u32 $0x7FFFFFFF, v5  }
0x76: {  	s18 =	sor.u32 s20, s18;
	[tilespmem:v6+s30+$0x0] =	vst.idx.add.f32.msk $0xffff, v5  }
0x77: {  	v5 =	vld [tilespmem:s18+$0x2780];
	v4 =	vsub.f32 v7, v4  }
0x78: {  	s21 =	sadd.s32 $0x20, s14;
	s22 =	sadd.s32 $0xFFFFFFD0, s3;
	[tilespmem:v6+s31+$0x0] =	vst.idx.add.f32.msk $0xffff, v2  }
0x79: {  	s19 =	sand.u32 $0x70, s22;
	v6 =	vsub.f32 v8, v9;
	v8 =	vld [tilespmem:s18+$0x2800];
	s18 =	sand.u32 $0xFFFFFF00, s21;
	v4 =	vand.u32 $0x7FFFFFFF, v4  }
0x7a: {  	s18 =	sor.u32 s19, s18;
	[tilespmem:v10+s30+$0x0] =	vst.idx.add.f32.msk $0xffff, v4  }
0x7b: {  	v9 =	vld [tilespmem:s18+$0x2780]  }
0x7c: {  	s23 =	sadd.s32 $0x40, s14;
	s20 =	sadd.s32 $0xFFFFFFE0, s3;
	v4 =	vand.u32 $0x7FFFFFFF, v6;
	v6 =	vld [tilespmem:s18+$0x2800]  }
0x7d: {  	s24 =	sand.u32 $0xFFFFFF00, s23;
	s25 =	sand.u32 $0x70, s20;
	[tilespmem:v10+s31+$0x0] =	vst.idx.add.f32.msk $0xffff, v2  }
0x7e: {  	s18 =	sor.u32 s25, s24;
	[tilespmem:v12+s30+$0x0] =	vst.idx.add.f32.msk $0xffff, v4  }
0x7f: {  	s6 =	sadd.s32 $0x60, s14;
	s21 =	sadd.s32 $0xFFFFFFF0, s3;
	v11 =	vld [tilespmem:s18+$0x2780]  }
0x80: {  	s22 =	sand.u32 $0xFFFFFF00, s6;
	s23 =	sand.u32 $0x70, s21;
	v7 =	vld.idx.msk [tilespmem:v5+s4+$0x0], $0xffff  }
0x81: {  	s19 =	sor.u32 s23, s22;
	v10 =	vld.idx.msk [tilespmem:v8+s4+$0x0], $0xffff  }
0x82: {  	s24 =	sadd.s32 $0xFFFFFFC0, s3;
	v13 =	vld [tilespmem:s19+$0x2780]  }
0x83: {  	s14 =	sand.u32 $0xFFFFFF00, s14;
	s25 =	sand.u32 $0x70, s24;
	v4 =	vld [tilespmem:s19+$0x2800]  }
0x84: {  	[tilespmem:v12+s31+$0x0] =	vst.idx.add.f32.msk $0xffff, v2;
	s14 =	sor.u32 s25, s14  }
0x85: {  	v17 =	vld [tilespmem:s14+$0x2780]  }
0x86: {  	v5 =	vld [tilespmem:s18+$0x2800];
	v10 =	vsub.f32 v7, v10  }
0x87: {  	v9 =	vld.idx.msk [tilespmem:v9+s4+$0x0], $0xffff  }
0x88: {  	v7 =	vld [tilespmem:s14+$0x2800];
	v10 =	vand.u32 $0x7FFFFFFF, v10  }
0x89: {  	[tilespmem:v8+s30+$0x0] =	vst.idx.add.f32.msk $0xffff, v10  }
0x8a: {  	v10 =	vld.idx.msk [tilespmem:v6+s4+$0x0], $0xffff  }
0x8b: {  	v12 =	vld.idx.msk [tilespmem:v11+s4+$0x0], $0xffff  }
0x8c: {  	v11 =	vld.idx.msk [tilespmem:v13+s4+$0x0], $0xffff  }
0x8d: {  	v13 =	vld.idx.msk [tilespmem:v4+s4+$0x0], $0xffff  }
0x8e: {  	v14 =	vld.idx.msk [tilespmem:v5+s4+$0x0], $0xffff  }
0x8f: {  	[tilespmem:v8+s31+$0x0] =	vst.idx.add.f32.msk $0xffff, v2;
	v8 =	vsub.f32 v9, v10  }
0x90: {  	v15 =	vsub.f32 v15, v16;
	v9 =	vld.idx.msk [tilespmem:v17+s4+$0x0], $0xffff  }
0x91: {  	v10 =	vld.idx.msk [tilespmem:v7+s4+$0x0], $0xffff;
	v63 =	vand.u32 $0x7FFFFFFF, v8  }
0x92: {  	s16 =	sadd.s32 $0xA0, s16;
	s14 =	simm.s32 $0x5;
	v8 =	vand.u32 $0x7FFFFFFF, v15;
	[tilespmem:v6+s30+$0x0] =	vst.idx.add.f32.msk $0xffff, v63  }
.LBB2_6:
0x93: {  	s18 =	sadd.s32 s16, s11;
	[tilespmem:v6+s31+$0x0] =	vst.idx.add.f32.msk $0xffff, v2;
	v6 =	vsub.f32 v12, v14  }
0x94: {  	s3 =	sadd.s32 $0x50, s3;
	s19 =	sadd.s32 $0x20, s18;
	s20 =	sadd.s32 $0x80, s18;
	[tilespmem:v3+s30+$0x0] =	vst.idx.add.f32.msk $0xffff, v8  }
0x95: {  	s14 =	sadd.s32 $0x5, s14;
	s21 =	sand.u32 $0x70, s3;
	v8 =	vsub.f32 v11, v13;
	s20 =	sand.u32 $0xFFFFFF00, s20;
	v6 =	vand.u32 $0x7FFFFFFF, v6;
	[tilespmem:v3+s31+$0x0] =	vst.idx.add.f32.msk $0xffff, v2;
	v3 =	vmov v7  }
0x96: {  	s22 =	sadd.s32 $0x40, s18;
	p0 =	slt.u32 s14, $0x26C;
	s20 =	sor.u32 s21, s20;
	[tilespmem:v5+s30+$0x0] =	vst.idx.add.f32.msk $0xffff, v6  }
0x97: {  	s23 =	sadd.s32 $0xFFFFFFE0, s3;
	s24 =	sadd.s32 $0x60, s18;
	s21 =	sadd.s32 $0xFFFFFFD0, s3;
	v6 =	vsub.f32 v9, v10;
	v9 =	vand.u32 $0x7FFFFFFF, v8;
	v7 =	vld [tilespmem:s20+$0x2780]  }
0x98: {  	s25 =	sadd.s32 $0xFFFFFFC0, s3;
	s6 =	sadd.s32 $0xFFFFFFF0, s3;
	s19 =	sand.u32 $0xFFFFFF00, s19;
	v10 =	vld [tilespmem:s20+$0x2800]  }
0x99: {  	s22 =	sand.u32 $0xFFFFFF00, s22;
	s24 =	sand.u32 $0xFFFFFF00, s24;
	s20 =	sand.u32 $0x70, s25;
	v8 =	vand.u32 $0x7FFFFFFF, v6;
	[tilespmem:v5+s31+$0x0] =	vst.idx.add.f32.msk $0xffff, v2  }
0x9a: {  	s18 =	sand.u32 $0xFFFFFF00, s18;
	s23 =	sand.u32 $0x70, s23;
	s21 =	sand.u32 $0x70, s21;
	[tilespmem:v4+s30+$0x0] =	vst.idx.add.f32.msk $0xffff, v9  }
0x9b: {  	s6 =	sand.u32 $0x70, s6;
	s19 =	sor.u32 s21, s19;
	s21 =	sor.u32 s23, s22;
	[tilespmem:v4+s31+$0x0] =	vst.idx.add.f32.msk $0xffff, v2  }
0x9c: {  	s6 =	sor.u32 s6, s24;
	s18 =	sor.u32 s20, s18;
	v9 =	vld [tilespmem:s19+$0x2780]  }
0x9d: {  	v6 =	vld [tilespmem:s19+$0x2800]  }
0x9e: {  	v11 =	vld [tilespmem:s21+$0x2780]  }
0x9f: {  	v12 =	vld.idx.msk [tilespmem:v7+s4+$0x0], $0xffff  }
0xa0: {  	v13 =	vld.idx.msk [tilespmem:v10+s4+$0x0], $0xffff  }
0xa1: {  	v5 =	vld [tilespmem:s21+$0x2800]  }
0xa2: {  	v15 =	vld [tilespmem:s6+$0x2780]  }
0xa3: {  	v4 =	vld [tilespmem:s6+$0x2800]  }
0xa4: {  	v16 =	vld [tilespmem:s18+$0x2780]  }
0xa5: {  	v7 =	vld [tilespmem:s18+$0x2800]  }
0xa6: {  	v13 =	vsub.f32 v12, v13;
	v9 =	vld.idx.msk [tilespmem:v9+s4+$0x0], $0xffff  }
0xa7: {  	v17 =	vld.idx.msk [tilespmem:v6+s4+$0x0], $0xffff  }
0xa8: {  	v12 =	vld.idx.msk [tilespmem:v11+s4+$0x0], $0xffff;
	v11 =	vand.u32 $0x7FFFFFFF, v13  }
0xa9: {  	[tilespmem:v10+s30+$0x0] =	vst.idx.add.f32.msk $0xffff, v11  }
0xaa: {  	[tilespmem:v10+s31+$0x0] =	vst.idx.add.f32.msk $0xffff, v2  }
0xab: {  	v14 =	vld.idx.msk [tilespmem:v5+s4+$0x0], $0xffff  }
.Ltmp2:
0xac: {  	v11 =	vld.idx.msk [tilespmem:v15+s4+$0x0], $0xffff;
	(pc) =	sbr.rel @p0 .LBB2_6-.Ltmp2, $4  }
0xad: {  	v15 =	vsub.f32 v9, v17;
	v13 =	vld.idx.msk [tilespmem:v4+s4+$0x0], $0xffff  }
0xae: {  	v9 =	vld.idx.msk [tilespmem:v16+s4+$0x0], $0xffff  }
0xaf: {  	v15 =	vand.u32 $0x7FFFFFFF, v15;
	v10 =	vld.idx.msk [tilespmem:v7+s4+$0x0], $0xffff  }
0xb0: {  	s16 =	sadd.s32 $0xA0, s16;
	[tilespmem:v6+s30+$0x0] =	vst.idx.add.f32.msk $0xffff, v15  }
0xb1: {  	_ =	sdelay $0x3  }
0xb2: {  	[tilespmem:v6+s31+$0x0] =	vst.idx.add.f32.msk $0xffff, v2;
	v61 =	vsub.f32 v12, v14  }
0xb3: {  	[tilespmem:v3+s30+$0x0] =	vst.idx.add.f32.msk $0xffff, v8  }
0xb4: {  	v62 =	vsub.f32 v11, v13;
	[tilespmem:v3+s31+$0x0] =	vst.idx.add.f32.msk $0xffff, v2;
	v6 =	vand.u32 $0x7FFFFFFF, v61  }
0xb5: {  	[tilespmem:v5+s30+$0x0] =	vst.idx.add.f32.msk $0xffff, v6  }
0xb6: {  	v3 =	vsub.f32 v9, v10;
	v63 =	vand.u32 $0x7FFFFFFF, v62;
	[tilespmem:v5+s31+$0x0] =	vst.idx.add.f32.msk $0xffff, v2  }
0xb7: {  	[tilespmem:v4+s30+$0x0] =	vst.idx.add.f32.msk $0xffff, v63  }
0xb8: {  	v3 =	vand.u32 $0x7FFFFFFF, v3;
	[tilespmem:v4+s31+$0x0] =	vst.idx.add.f32.msk $0xffff, v2  }
0xb9: {  	[tilespmem:v7+s30+$0x0] =	vst.idx.add.f32.msk $0xffff, v3  }
0xba: {  	[tilespmem:v7+s31+$0x0] =	vst.idx.add.f32.msk $0xffff, v2  }
0xbb: {  	[hbm4b:s8+s15] =	stream.strided.scatter [tilespmem:s30], [sflag:$0x4], $0x2780, s2, s15, $0x38;
	[tilespmem:$0xCB80] =	vst v63  }
0xbc: {  	s0 =	sadd.s32 $0x1, s0;
	_ =	swait.ge [sflag:s28], $0x2780  }
0xbd: {  	p0 =	sne.s32 s0, s10;
	[sflag:s28] =	ssyncset.done $0x0  }
.Ltmp3:
0xbe: {  	[sflag:s28] =	ssyncadd.s32 $0xFFFFD880;
	(pc) =	sbr.rel @p0 .LBB2_1-.Ltmp3, $4  }
0xbf: {  	[hbm4b:s9+s15] =	stream.strided.scatter [tilespmem:s31], [sflag:$0x4], $0x2780, s2, s15, $0x38;
	[tilespmem:$0xCB80] =	vst v63  }
0xc0: {  	_ =	swait.ge [sflag:s28], $0x2780  }
0xc1: {  	[sflag:s28] =	ssyncset.done $0x0  }
0xc2: {  	[sflag:s28] =	ssyncadd.s32 $0xFFFFD880  }
0xc3: {  	_ =	sfence.sel $0x180000  }
0xc4: {  	[bflag:$0x0] =	sbarrier.arrive $0xFFFF  }
0xc5: {  	_ =	strace $0x90000047  }
0xc6: {  	s0 =	stileid.u32;
	[bflag:$0x2] =	sbarrier.arrive $0xFFFF  }
0xc7: {  	p0 =	sne.s32 s0, $0x0;
	s0 =	rddreg [dreg:$0x4]  }
0xc8: {  	s0 =	sadd.s32 @!p0 $0x100000, s0  }
0xc9: {  	[sflag:s0] =	ssyncadd.tile.s32 @!p0 $0x1;
	_ =	shalt  }
.Lfunc_end2:
_tile_overlayer_lowered:
.L_overlay_start_2:
0xca: {  	(tag) =	ssettag $0x2  }
0xcb: {  	s0 =	rddreg [dreg:$0x0];
	s2 =	stileid.u32  }
0xcc: {  	s1 =	rddreg [dreg:$0x1];
	p0 =	sne.s32 s2, $0x0  }
0xcd: {  	s3 =	rddreg [dreg:$0x2];
	[bflag:$0x3] =	sbarrier.arrive $0xFFFF;
	s2 =	simm.s32 @!p0 $0x1C04  }
0xce: {  	[timem:s3], [sflag:s2] =	dma.local @!p0 [hbm:s0], s1  }
0xcf: {  	s0 =	simm.s32 @!p0 $0x4  }
0xd0: {  	_ =	swait.ge @!p0 [sflag:s0], s1  }
0xd1: {  	s1 =	ssub.s32 @!p0 $0x0, s1;
	[sflag:s0] =	ssyncset.done @!p0 $0x0  }
0xd2: {  	[sflag:s0] =	ssyncadd.s32 @!p0 s1  }
0xd3: {  	[bflag:$0x3] =	sbarrier.arrive $0xFFFF  }
0xd4: {  	_ =	shalt  }

</sc_bundles>
